<compile_context>
chip_gen: v7x
topology: tpu7x:2x2x1
jax: 0.10.2.dev20260603
libtpu: 0.0.44.dev20260713+nightly
codegen_flags: <defaults>
</compile_context>

<pallas_src>
import functools

import jax
import jax.numpy as jnp
from jax import lax
from jax.experimental import pallas as pl
from jax.experimental.pallas import tpu as pltpu
from jax.experimental.pallas import tpu_sc as plsc

EMBED = 128
BATCH = 4096
TB = 2048


@functools.lru_cache(maxsize=None)
def _make_gather(n_user, n_item, batch, dim):
    info = plsc.get_sparse_core_info()
    nw = info.num_cores * info.num_subcores
    b_per_w = batch // nw
    mesh = plsc.VectorSubcoreMesh(core_axis_name="c", subcore_axis_name="s")

    @functools.partial(
        pl.kernel,
        mesh=mesh,
        out_type=[
            jax.ShapeDtypeStruct((batch, dim), jnp.float32),
            jax.ShapeDtypeStruct((batch, dim), jnp.float32),
        ],
        scratch_types=[
            pltpu.VMEM((b_per_w,), jnp.int32),
            pltpu.VMEM((b_per_w, dim), jnp.float32),
            pltpu.VMEM((b_per_w,), jnp.int32),
            pltpu.VMEM((b_per_w, dim), jnp.float32),
            pltpu.SemaphoreType.DMA,
            pltpu.SemaphoreType.DMA,
            pltpu.SemaphoreType.DMA,
            pltpu.SemaphoreType.DMA,
        ],
    )
    def gather_k(ut_hbm, it_hbm, uid_hbm, iid_hbm, uout_hbm, iout_hbm,
                 uidx_v, urows_v, iidx_v, irows_v, usem, isem, wusem, wisem):
        wid = lax.axis_index("s") * info.num_cores + lax.axis_index("c")
        base = wid * b_per_w
        pltpu.sync_copy(uid_hbm.at[pl.ds(base, b_per_w)], uidx_v)
        pltpu.sync_copy(iid_hbm.at[pl.ds(base, b_per_w)], iidx_v)
        cu = pltpu.async_copy(ut_hbm.at[uidx_v], urows_v, usem)
        ci = pltpu.async_copy(it_hbm.at[iidx_v], irows_v, isem)
        cu.wait()
        wu = pltpu.async_copy(urows_v, uout_hbm.at[pl.ds(base, b_per_w)], wusem)
        ci.wait()
        wi = pltpu.async_copy(irows_v, iout_hbm.at[pl.ds(base, b_per_w)], wisem)
        wu.wait()
        wi.wait()

    return gather_k


def _mlp_body(uv_ref, iv_ref, w0_ref, b0_ref, w1_ref, b1_ref,
              w2_ref, b2_ref, o_ref):
    bf = jnp.bfloat16
    h = jnp.dot(uv_ref[...].astype(bf), w0_ref[:EMBED],
                preferred_element_type=jnp.float32)
    h += jnp.dot(iv_ref[...].astype(bf), w0_ref[EMBED:],
                 preferred_element_type=jnp.float32)
    h = jnp.maximum(h + b0_ref[...], 0.0).astype(bf)
    h = jnp.maximum(
        jnp.dot(h, w1_ref[...], preferred_element_type=jnp.float32)
        + b1_ref[...], 0.0).astype(bf)
    o_ref[...] = jnp.maximum(
        jnp.dot(h, w2_ref[...], preferred_element_type=jnp.float32)
        + b2_ref[...], 0.0)


def _mlp(uv, iv, w0, b0, w1, b1, w2, b2):
    batch = uv.shape[0]
    d_out = w2.shape[1]
    tb = min(TB, batch)
    grid = (batch // tb,)
    full = lambda a: pl.BlockSpec(a.shape, lambda i: (0,) * a.ndim)
    return pl.pallas_call(
        _mlp_body,
        grid=grid,
        in_specs=[
            pl.BlockSpec((tb, uv.shape[1]), lambda i: (i, 0)),
            pl.BlockSpec((tb, iv.shape[1]), lambda i: (i, 0)),
            full(w0), full(b0), full(w1), full(b1), full(w2), full(b2),
        ],
        out_specs=pl.BlockSpec((tb, d_out), lambda i: (i, 0)),
        out_shape=jax.ShapeDtypeStruct((batch, d_out), jnp.float32),
    )(uv, iv, w0, b0, w1, b1, w2, b2)


N_CHUNKS = 1


def kernel(user_id, item_id, user_table, item_table, W0, b0, W1, b1, W2, b2):
    batch = user_id.shape[0]
    cb = batch // N_CHUNKS
    gather = _make_gather(user_table.shape[0], item_table.shape[0],
                          cb, user_table.shape[1])
    bf = jnp.bfloat16
    w0b, w1b, w2b = W0.astype(bf), W1.astype(bf), W2.astype(bf)
    b0r, b1r, b2r = b0.reshape(1, -1), b1.reshape(1, -1), b2.reshape(1, -1)
    outs = []
    for c in range(N_CHUNKS):
        uv, iv = gather(user_table, item_table,
                        user_id[c * cb:(c + 1) * cb],
                        item_id[c * cb:(c + 1) * cb])
        outs.append(_mlp(uv, iv, w0b, b0r, w1b, b1r, w2b, b2r))
    return jnp.concatenate(outs, axis=0) if N_CHUNKS > 1 else outs[0]

# --- scband reference (transcript-rebuilt; emitter-appended) ---
"""Pipeline reference for scband-mlp-72602127171688 (READ-ONLY COPY).

The authoritative reference and input builder live on the scoring server;
editing this copy changes nothing except your own understanding.
"""

import jax, jax.numpy as jnp
import numpy as np

USER_NUM = 100000
ITEM_NUM = 100000
EMBED_DIM = 128
LAYERS = [256, 512, 256, 128]
BATCH = 4096

def _xavier(key, fan_in, fan_out):
    std = float(np.sqrt(2.0 / (fan_in + fan_out)))
    return jax.random.normal(key, (fan_in, fan_out), dtype=jnp.float32) * std

def setup_inputs(seed: int = 0):
    key = jax.random.key(seed)
    ks = jax.random.split(key, 8)
    user_id = jax.random.randint(ks[0], (BATCH,), 0, USER_NUM, dtype=jnp.int64 if jax.config.jax_enable_x64 else jnp.int32).astype(jnp.int32)
    item_id = jax.random.randint(ks[1], (BATCH,), 0, ITEM_NUM, dtype=jnp.int32)
    user_table = jax.random.normal(ks[2], (USER_NUM, EMBED_DIM), dtype=jnp.float32) * 0.01
    item_table = jax.random.normal(ks[3], (ITEM_NUM, EMBED_DIM), dtype=jnp.float32) * 0.01
    W0 = _xavier(ks[4], LAYERS[0], LAYERS[1]); b0 = jnp.zeros((LAYERS[1],), jnp.float32)
    W1 = _xavier(ks[5], LAYERS[1], LAYERS[2]); b1 = jnp.zeros((LAYERS[2],), jnp.float32)
    W2 = _xavier(ks[6], LAYERS[2], LAYERS[3]); b2 = jnp.zeros((LAYERS[3],), jnp.float32)
    return {"user_id": user_id, "item_id": item_id, "user_table": user_table, "item_table": item_table, "W0": W0, "b0": b0, "W1": W1, "b1": b1, "W2": W2, "b2": b2}

def reference(user_id, item_id, user_table, item_table, W0, b0, W1, b1, W2, b2):
    user_vec = jnp.take(user_table, user_id, axis=0)
    item_vec = jnp.take(item_table, item_id, axis=0)
    x = jnp.concatenate([user_vec, item_vec], axis=-1)
    x = jnp.maximum(x @ W0 + b0, 0.0)
    x = jnp.maximum(x @ W1 + b1, 0.0)
    x = jnp.maximum(x @ W2 + b2, 0.0)
    return x

if __name__ == "__main__":
    import jax
    _d = setup_inputs()
    print(jax.jit(kernel)(*tuple(_d.values())))

</pallas_src>

<mosaic_0001>
#map = affine_map<(d0, d1) -> (0, 0)>
#map1 = affine_map<(d0, d1) -> (0)>
module attributes {stable_mosaic.version = 14 : i64} {
  func.func @gather_k(%arg0: i32, %arg1: i32, %arg2: memref<100000x128xf32, #tpu.memory_space<hbm>>, %arg3: memref<100000x128xf32, #tpu.memory_space<hbm>>, %arg4: memref<4096xi32, #tpu.memory_space<hbm>>, %arg5: memref<4096xi32, #tpu.memory_space<hbm>>, %arg6: memref<4096x128xf32, #tpu.memory_space<hbm>>, %arg7: memref<4096x128xf32, #tpu.memory_space<hbm>>, %arg8: memref<128xi32, #tpu.memory_space<vmem>>, %arg9: memref<128x128xf32, #tpu.memory_space<vmem>>, %arg10: memref<128xi32, #tpu.memory_space<vmem>>, %arg11: memref<128x128xf32, #tpu.memory_space<vmem>>, %arg12: memref<!tpu.dma_semaphore, #tpu.memory_space<semaphore_mem>>, %arg13: memref<!tpu.dma_semaphore, #tpu.memory_space<semaphore_mem>>, %arg14: memref<!tpu.dma_semaphore, #tpu.memory_space<semaphore_mem>>, %arg15: memref<!tpu.dma_semaphore, #tpu.memory_space<semaphore_mem>>) attributes {dimension_semantics = [#tpu.dimension_semantics<core_parallel>, #tpu.dimension_semantics<subcore_parallel>], iteration_bounds = array<i64: 2, 16>, scalar_prefetch = 0 : i64, scratch_operands = 8 : i64, tpu.core_type = #tpu.core_type<sc_vector_subcore>, window_params = [{transform_indices = #map}, {transform_indices = #map}, {transform_indices = #map1}, {transform_indices = #map1}, {transform_indices = #map}, {transform_indices = #map}]} {
    %mul3A = arith.constant 2 : i32
    %mul3A_0 = arith.muli %arg1, %mul3A : i32
    %add3A = arith.addi %mul3A_0, %arg0 : i32
    %mul3A_1 = arith.constant 128 : i32
    %mul3A_2 = arith.muli %add3A, %mul3A_1 : i32
    "tpu.region"() ({
      %run_scoped3A = tpu.sem_alloc : memref<!tpu.dma_semaphore, #tpu.memory_space<semaphore_mem>>
      %dma_start3A_29 = tpu.memref_slice %arg4[%mul3A_2] : memref<4096xi32, #tpu.memory_space<hbm>> -> memref<128xi32, #tpu.memory_space<hbm>>
      %dma_start3A_30 = tpu.memref_slice %arg4[%mul3A_2] : memref<4096xi32, #tpu.memory_space<hbm>> -> memref<128xi32, #tpu.memory_space<hbm>>
      tpu.enqueue_dma source(%dma_start3A_30 : memref<128xi32, #tpu.memory_space<hbm>>) target(%arg8 : memref<128xi32, #tpu.memory_space<vmem>>) target_semaphore(%run_scoped3A : memref<!tpu.dma_semaphore, #tpu.memory_space<semaphore_mem>>)
      %dma_wait3A_31 = tpu.memref_slice %arg4[%mul3A_2] : memref<4096xi32, #tpu.memory_space<hbm>> -> memref<128xi32, #tpu.memory_space<hbm>>
      %dma_wait3A_32 = tpu.memref_slice %arg4[%mul3A_2] : memref<4096xi32, #tpu.memory_space<hbm>> -> memref<128xi32, #tpu.memory_space<hbm>>
      tpu.wait_dma2 semaphore(%run_scoped3A : memref<!tpu.dma_semaphore, #tpu.memory_space<semaphore_mem>>) src(%dma_wait3A_32 : memref<128xi32, #tpu.memory_space<hbm>>) dst(%arg8 : memref<128xi32, #tpu.memory_space<vmem>>)
      tpu.yield
    }) : () -> ()
    "tpu.region"() ({
      %run_scoped3A = tpu.sem_alloc : memref<!tpu.dma_semaphore, #tpu.memory_space<semaphore_mem>>
      %dma_start3A_29 = tpu.memref_slice %arg5[%mul3A_2] : memref<4096xi32, #tpu.memory_space<hbm>> -> memref<128xi32, #tpu.memory_space<hbm>>
      %dma_start3A_30 = tpu.memref_slice %arg5[%mul3A_2] : memref<4096xi32, #tpu.memory_space<hbm>> -> memref<128xi32, #tpu.memory_space<hbm>>
      tpu.enqueue_dma source(%dma_start3A_30 : memref<128xi32, #tpu.memory_space<hbm>>) target(%arg10 : memref<128xi32, #tpu.memory_space<vmem>>) target_semaphore(%run_scoped3A : memref<!tpu.dma_semaphore, #tpu.memory_space<semaphore_mem>>)
      %dma_wait3A_31 = tpu.memref_slice %arg5[%mul3A_2] : memref<4096xi32, #tpu.memory_space<hbm>> -> memref<128xi32, #tpu.memory_space<hbm>>
      %dma_wait3A_32 = tpu.memref_slice %arg5[%mul3A_2] : memref<4096xi32, #tpu.memory_space<hbm>> -> memref<128xi32, #tpu.memory_space<hbm>>
      tpu.wait_dma2 semaphore(%run_scoped3A : memref<!tpu.dma_semaphore, #tpu.memory_space<semaphore_mem>>) src(%dma_wait3A_32 : memref<128xi32, #tpu.memory_space<hbm>>) dst(%arg10 : memref<128xi32, #tpu.memory_space<vmem>>)
      tpu.yield
    }) : () -> ()
    %dma_start3A = arith.constant 0 : i32
    %dma_start3A_3 = arith.constant 0 : i32
    %dma_start3A_4 = tpu.memref_slice %arg2[%dma_start3A, %dma_start3A_3] : memref<100000x128xf32, #tpu.memory_space<hbm>> -> memref<100000x128xf32, #tpu.memory_space<hbm>>
    tpu.enqueue_indirect_dma source(%dma_start3A_4 : memref<100000x128xf32, #tpu.memory_space<hbm>>) target(%arg9 : memref<128x128xf32, #tpu.memory_space<vmem>>) offsets(%arg8 : memref<128xi32, #tpu.memory_space<vmem>>) semaphore(%arg12 : memref<!tpu.dma_semaphore, #tpu.memory_space<semaphore_mem>>)
    %dma_start3A_5 = arith.constant 0 : i32
    %dma_start3A_6 = arith.constant 0 : i32
    %dma_start3A_7 = tpu.memref_slice %arg3[%dma_start3A_5, %dma_start3A_6] : memref<100000x128xf32, #tpu.memory_space<hbm>> -> memref<100000x128xf32, #tpu.memory_space<hbm>>
    tpu.enqueue_indirect_dma source(%dma_start3A_7 : memref<100000x128xf32, #tpu.memory_space<hbm>>) target(%arg11 : memref<128x128xf32, #tpu.memory_space<vmem>>) offsets(%arg10 : memref<128xi32, #tpu.memory_space<vmem>>) semaphore(%arg13 : memref<!tpu.dma_semaphore, #tpu.memory_space<semaphore_mem>>)
    %dma_wait3A = arith.constant 0 : i32
    %dma_wait3A_8 = arith.constant 0 : i32
    %dma_wait3A_9 = tpu.memref_slice %arg2[%dma_wait3A, %dma_wait3A_8] : memref<100000x128xf32, #tpu.memory_space<hbm>> -> memref<100000x128xf32, #tpu.memory_space<hbm>>
    tpu.wait_indirect_dma semaphore(%arg12 : memref<!tpu.dma_semaphore, #tpu.memory_space<semaphore_mem>>) src(%dma_wait3A_9 : memref<100000x128xf32, #tpu.memory_space<hbm>>) dst(%arg9 : memref<128x128xf32, #tpu.memory_space<vmem>>)
    %dma_start3A_10 = arith.constant 0 : i32
    %dma_start3A_11 = tpu.memref_slice %arg6[%mul3A_2, %dma_start3A_10] : memref<4096x128xf32, #tpu.memory_space<hbm>> -> memref<128x128xf32, #tpu.memory_space<hbm>>
    %dma_start3A_12 = arith.constant 0 : i32
    %dma_start3A_13 = tpu.memref_slice %arg6[%mul3A_2, %dma_start3A_12] : memref<4096x128xf32, #tpu.memory_space<hbm>> -> memref<128x128xf32, #tpu.memory_space<hbm>>
    tpu.enqueue_dma source(%arg9 : memref<128x128xf32, #tpu.memory_space<vmem>>) target(%dma_start3A_13 : memref<128x128xf32, #tpu.memory_space<hbm>>) target_semaphore(%arg14 : memref<!tpu.dma_semaphore, #tpu.memory_space<semaphore_mem>>)
    %dma_wait3A_14 = arith.constant 0 : i32
    %dma_wait3A_15 = arith.constant 0 : i32
    %dma_wait3A_16 = tpu.memref_slice %arg3[%dma_wait3A_14, %dma_wait3A_15] : memref<100000x128xf32, #tpu.memory_space<hbm>> -> memref<100000x128xf32, #tpu.memory_space<hbm>>
    tpu.wait_indirect_dma semaphore(%arg13 : memref<!tpu.dma_semaphore, #tpu.memory_space<semaphore_mem>>) src(%dma_wait3A_16 : memref<100000x128xf32, #tpu.memory_space<hbm>>) dst(%arg11 : memref<128x128xf32, #tpu.memory_space<vmem>>)
    %dma_start3A_17 = arith.constant 0 : i32
    %dma_start3A_18 = tpu.memref_slice %arg7[%mul3A_2, %dma_start3A_17] : memref<4096x128xf32, #tpu.memory_space<hbm>> -> memref<128x128xf32, #tpu.memory_space<hbm>>
    %dma_start3A_19 = arith.constant 0 : i32
    %dma_start3A_20 = tpu.memref_slice %arg7[%mul3A_2, %dma_start3A_19] : memref<4096x128xf32, #tpu.memory_space<hbm>> -> memref<128x128xf32, #tpu.memory_space<hbm>>
    tpu.enqueue_dma source(%arg11 : memref<128x128xf32, #tpu.memory_space<vmem>>) target(%dma_start3A_20 : memref<128x128xf32, #tpu.memory_space<hbm>>) target_semaphore(%arg15 : memref<!tpu.dma_semaphore, #tpu.memory_space<semaphore_mem>>)
    %dma_wait3A_21 = arith.constant 0 : i32
    %dma_wait3A_22 = tpu.memref_slice %arg6[%mul3A_2, %dma_wait3A_21] : memref<4096x128xf32, #tpu.memory_space<hbm>> -> memref<128x128xf32, #tpu.memory_space<hbm>>
    %dma_wait3A_23 = arith.constant 0 : i32
    %dma_wait3A_24 = tpu.memref_slice %arg6[%mul3A_2, %dma_wait3A_23] : memref<4096x128xf32, #tpu.memory_space<hbm>> -> memref<128x128xf32, #tpu.memory_space<hbm>>
    tpu.wait_dma2 semaphore(%arg14 : memref<!tpu.dma_semaphore, #tpu.memory_space<semaphore_mem>>) src(%arg9 : memref<128x128xf32, #tpu.memory_space<vmem>>) dst(%dma_wait3A_24 : memref<128x128xf32, #tpu.memory_space<hbm>>)
    %dma_wait3A_25 = arith.constant 0 : i32
    %dma_wait3A_26 = tpu.memref_slice %arg7[%mul3A_2, %dma_wait3A_25] : memref<4096x128xf32, #tpu.memory_space<hbm>> -> memref<128x128xf32, #tpu.memory_space<hbm>>
    %dma_wait3A_27 = arith.constant 0 : i32
    %dma_wait3A_28 = tpu.memref_slice %arg7[%mul3A_2, %dma_wait3A_27] : memref<4096x128xf32, #tpu.memory_space<hbm>> -> memref<128x128xf32, #tpu.memory_space<hbm>>
    tpu.wait_dma2 semaphore(%arg15 : memref<!tpu.dma_semaphore, #tpu.memory_space<semaphore_mem>>) src(%arg11 : memref<128x128xf32, #tpu.memory_space<vmem>>) dst(%dma_wait3A_28 : memref<128x128xf32, #tpu.memory_space<hbm>>)
    return
  }
}

module attributes {stable_mosaic.version = 14 : i64} {
  func.func @_mlp_body(%arg0: i32, %arg1: memref<2048x128xf32, #tpu.memory_space<vmem>>, %arg2: memref<2048x128xf32, #tpu.memory_space<vmem>>, %arg3: memref<256x512xbf16, #tpu.memory_space<vmem>>, %arg4: memref<1x512xf32, #tpu.memory_space<vmem>>, %arg5: memref<512x256xbf16, #tpu.memory_space<vmem>>, %arg6: memref<1x256xf32, #tpu.memory_space<vmem>>, %arg7: memref<256x128xbf16, #tpu.memory_space<vmem>>, %arg8: memref<1x128xf32, #tpu.memory_space<vmem>>, %arg9: memref<2048x128xf32, #tpu.memory_space<vmem>>) attributes {dimension_semantics = [#tpu.dimension_semantics<arbitrary>], iteration_bounds = array<i64: 2>, scalar_prefetch = 0 : i64, scratch_operands = 0 : i64, tpu.core_type = #tpu.core_type<tc>, window_params = [{transform_indices = @transform_0, window_bounds = array<i64: 2048, 128>}, {transform_indices = @transform_1, window_bounds = array<i64: 2048, 128>}, {pipeline_mode = #tpu.pipeline_mode<synchronous>, transform_indices = @transform_2, window_bounds = array<i64: 256, 512>}, {pipeline_mode = #tpu.pipeline_mode<synchronous>, transform_indices = @transform_3, window_bounds = array<i64: 1, 512>}, {pipeline_mode = #tpu.pipeline_mode<synchronous>, transform_indices = @transform_4, window_bounds = array<i64: 512, 256>}, {pipeline_mode = #tpu.pipeline_mode<synchronous>, transform_indices = @transform_5, window_bounds = array<i64: 1, 256>}, {pipeline_mode = #tpu.pipeline_mode<synchronous>, transform_indices = @transform_6, window_bounds = array<i64: 256, 128>}, {pipeline_mode = #tpu.pipeline_mode<synchronous>, transform_indices = @transform_7, window_bounds = array<i64: 1, 128>}, {transform_indices = @transform_8, window_bounds = array<i64: 2048, 128>}]} {
    %get3A = arith.constant 0 : index
    %get3A_0 = arith.constant 0 : index
    %get3A_1 = vector.load %arg1[%get3A, %get3A_0] : memref<2048x128xf32, #tpu.memory_space<vmem>>, vector<2048x128xf32>
    %convert_element_type3A = arith.truncf %get3A_1 : vector<2048x128xf32> to vector<2048x128xbf16>
    %get3A_2 = arith.constant 0 : index
    %get3A_3 = arith.constant 0 : index
    %get3A_4 = vector.load %arg3[%get3A_2, %get3A_3] : memref<256x512xbf16, #tpu.memory_space<vmem>>, vector<128x512xbf16>
    %dot_general3A = arith.constant dense<0.000000e+00> : vector<2048x512xf32>
    %dot_general3A_5 = tpu.matmul %convert_element_type3A, %get3A_4, %dot_general3A {dimension_numbers = #tpu.dot_dimension_numbers<[1], [0], [0], [1], [0, 0, 1, 1], [], []>, transpose_lhs_hint = false} : vector<2048x128xbf16>, vector<128x512xbf16>, vector<2048x512xf32> -> vector<2048x512xf32>
    %get3A_6 = arith.constant 0 : index
    %get3A_7 = arith.constant 0 : index
    %get3A_8 = vector.load %arg2[%get3A_6, %get3A_7] : memref<2048x128xf32, #tpu.memory_space<vmem>>, vector<2048x128xf32>
    %convert_element_type3A_9 = arith.truncf %get3A_8 : vector<2048x128xf32> to vector<2048x128xbf16>
    %get3A_10 = arith.constant 128 : index
    %get3A_11 = arith.constant 0 : index
    %get3A_12 = vector.load %arg3[%get3A_10, %get3A_11] : memref<256x512xbf16, #tpu.memory_space<vmem>>, vector<128x512xbf16>
    %dot_general3A_13 = arith.constant dense<0.000000e+00> : vector<2048x512xf32>
    %dot_general3A_14 = tpu.matmul %convert_element_type3A_9, %get3A_12, %dot_general3A_13 {dimension_numbers = #tpu.dot_dimension_numbers<[1], [0], [0], [1], [0, 0, 1, 1], [], []>, transpose_lhs_hint = false} : vector<2048x128xbf16>, vector<128x512xbf16>, vector<2048x512xf32> -> vector<2048x512xf32>
    %add3A = arith.addf %dot_general3A_5, %dot_general3A_14 : vector<2048x512xf32>
    %get3A_15 = arith.constant 0 : index
    %get3A_16 = arith.constant 0 : index
    %get3A_17 = vector.load %arg4[%get3A_15, %get3A_16] : memref<1x512xf32, #tpu.memory_space<vmem>>, vector<1x512xf32>
    %add3A_18 = vector.broadcast %get3A_17 : vector<1x512xf32> to vector<2048x512xf32>
    %add3A_19 = arith.addf %add3A, %add3A_18 : vector<2048x512xf32>
    %max3A = arith.constant 0.000000e+00 : f32
    %max3A_20 = vector.broadcast %max3A : f32 to vector<2048x512xf32>
    %max3A_21 = arith.maximumf %add3A_19, %max3A_20 : vector<2048x512xf32>
    %convert_element_type3A_22 = arith.truncf %max3A_21 : vector<2048x512xf32> to vector<2048x512xbf16>
    %get3A_23 = arith.constant 0 : index
    %get3A_24 = arith.constant 0 : index
    %get3A_25 = vector.load %arg5[%get3A_23, %get3A_24] : memref<512x256xbf16, #tpu.memory_space<vmem>>, vector<512x256xbf16>
    %dot_general3A_26 = arith.constant dense<0.000000e+00> : vector<2048x256xf32>
    %dot_general3A_27 = tpu.matmul %convert_element_type3A_22, %get3A_25, %dot_general3A_26 {dimension_numbers = #tpu.dot_dimension_numbers<[1], [0], [0], [1], [0, 0, 1, 1], [], []>, transpose_lhs_hint = false} : vector<2048x512xbf16>, vector<512x256xbf16>, vector<2048x256xf32> -> vector<2048x256xf32>
    %get3A_28 = arith.constant 0 : index
    %get3A_29 = arith.constant 0 : index
    %get3A_30 = vector.load %arg6[%get3A_28, %get3A_29] : memref<1x256xf32, #tpu.memory_space<vmem>>, vector<1x256xf32>
    %add3A_31 = vector.broadcast %get3A_30 : vector<1x256xf32> to vector<2048x256xf32>
    %add3A_32 = arith.addf %dot_general3A_27, %add3A_31 : vector<2048x256xf32>
    %max3A_33 = arith.constant 0.000000e+00 : f32
    %max3A_34 = vector.broadcast %max3A_33 : f32 to vector<2048x256xf32>
    %max3A_35 = arith.maximumf %add3A_32, %max3A_34 : vector<2048x256xf32>
    %convert_element_type3A_36 = arith.truncf %max3A_35 : vector<2048x256xf32> to vector<2048x256xbf16>
    %get3A_37 = arith.constant 0 : index
    %get3A_38 = arith.constant 0 : index
    %get3A_39 = vector.load %arg7[%get3A_37, %get3A_38] : memref<256x128xbf16, #tpu.memory_space<vmem>>, vector<256x128xbf16>
    %dot_general3A_40 = arith.constant dense<0.000000e+00> : vector<2048x128xf32>
    %dot_general3A_41 = tpu.matmul %convert_element_type3A_36, %get3A_39, %dot_general3A_40 {dimension_numbers = #tpu.dot_dimension_numbers<[1], [0], [0], [1], [0, 0, 1, 1], [], []>, transpose_lhs_hint = false} : vector<2048x256xbf16>, vector<256x128xbf16>, vector<2048x128xf32> -> vector<2048x128xf32>
    %get3A_42 = arith.constant 0 : index
    %get3A_43 = arith.constant 0 : index
    %get3A_44 = vector.load %arg8[%get3A_42, %get3A_43] : memref<1x128xf32, #tpu.memory_space<vmem>>, vector<1x128xf32>
    %add3A_45 = vector.broadcast %get3A_44 : vector<1x128xf32> to vector<2048x128xf32>
    %add3A_46 = arith.addf %dot_general3A_41, %add3A_45 : vector<2048x128xf32>
    %max3A_47 = arith.constant 0.000000e+00 : f32
    %max3A_48 = vector.broadcast %max3A_47 : f32 to vector<2048x128xf32>
    %max3A_49 = arith.maximumf %add3A_46, %max3A_48 : vector<2048x128xf32>
    %swap3A = arith.constant 0 : index
    %swap3A_50 = arith.constant 0 : index
    %swap3A_51 = vector.load %arg9[%swap3A, %swap3A_50] : memref<2048x128xf32, #tpu.memory_space<vmem>>, vector<2048x128xf32>
    tpu.vector_store %arg9[%swap3A, %swap3A_50], %max3A_49 {strides = array<i32>} : memref<2048x128xf32, #tpu.memory_space<vmem>>, vector<2048x128xf32>,
    return
  }
  func.func @transform_0(%arg0: i32) -> (i32, i32) {
    %c0_i32 = arith.constant 0 : i32
    %c0_i32_0 = arith.constant 0 : i32
    return %arg0, %c0_i32 : i32, i32
  }
  func.func @transform_1(%arg0: i32) -> (i32, i32) {
    %c0_i32 = arith.constant 0 : i32
    %c0_i32_0 = arith.constant 0 : i32
    return %arg0, %c0_i32 : i32, i32
  }
  func.func @transform_2(%arg0: i32) -> (i32, i32) {
    %c0_i32 = arith.constant 0 : i32
    %c0_i32_0 = arith.constant 0 : i32
    %c0_i32_1 = arith.constant 0 : i32
    return %c0_i32, %c0_i32_0 : i32, i32
  }
  func.func @transform_3(%arg0: i32) -> (i32, i32) {
    %c0_i32 = arith.constant 0 : i32
    %c0_i32_0 = arith.constant 0 : i32
    %c0_i32_1 = arith.constant 0 : i32
    return %c0_i32, %c0_i32_0 : i32, i32
  }
  func.func @transform_4(%arg0: i32) -> (i32, i32) {
    %c0_i32 = arith.constant 0 : i32
    %c0_i32_0 = arith.constant 0 : i32
    %c0_i32_1 = arith.constant 0 : i32
    return %c0_i32, %c0_i32_0 : i32, i32
  }
  func.func @transform_5(%arg0: i32) -> (i32, i32) {
    %c0_i32 = arith.constant 0 : i32
    %c0_i32_0 = arith.constant 0 : i32
    %c0_i32_1 = arith.constant 0 : i32
    return %c0_i32, %c0_i32_0 : i32, i32
  }
  func.func @transform_6(%arg0: i32) -> (i32, i32) {
    %c0_i32 = arith.constant 0 : i32
    %c0_i32_0 = arith.constant 0 : i32
    %c0_i32_1 = arith.constant 0 : i32
    return %c0_i32, %c0_i32_0 : i32, i32
  }
  func.func @transform_7(%arg0: i32) -> (i32, i32) {
    %c0_i32 = arith.constant 0 : i32
    %c0_i32_0 = arith.constant 0 : i32
    %c0_i32_1 = arith.constant 0 : i32
    return %c0_i32, %c0_i32_0 : i32, i32
  }
  func.func @transform_8(%arg0: i32) -> (i32, i32) {
    %c0_i32 = arith.constant 0 : i32
    %c0_i32_0 = arith.constant 0 : i32
    return %arg0, %c0_i32 : i32, i32
  }
}

</mosaic_0001>

<sc_bundles>
// kernel: kernel.4.cloned.1.call-start
scs
__scs_entry_jumppad:
0x0: {  	(pc) =	sbr.rel $0x88, $3  }
0x1: {  	(tag) =	ssettag $0x0;
	lr =	simm.s32 $0x1  }
0x2: {  	[smem:$0x3F97] =	sst lr;
	_ =	strace $0xD0000000  }
0x3: {  	_ = 	snop  }
0x4: {  	_ = 	snop  }
0x5: {  	_ = 	snop  }
0x6: {  	_ = 	snop  }
0x7: {  	_ = 	snop  }
__scs_overlays_trampoline_lowered:
0x8: {  	[smem:$0x3FA6] =	sst s0  }
0x9: {  	[smem:$0x3FA7] =	sst s1  }
0xa: {  	[smem:$0x3FA8] =	sst s2  }
0xb: {  	[smem:$0x3FA9] =	sst s3  }
0xc: {  	[smem:$0x3FAA] =	sst s4  }
0xd: {  	[smem:$0x3FAB] =	sst s5  }
0xe: {  	[smem:$0x3FAC] =	sst s6  }
0xf: {  	[smem:$0x3FAD] =	sst s7  }
0x10: {  	[smem:$0x3FAE] =	sst s8  }
0x11: {  	[smem:$0x3FAF] =	sst s9;
	s0 =	simm.s32 @!p0 $0x0  }
0x12: {  	s1 =	sld [smem:$0x3F95];
	s0 =	simm.s32 @p0 $0x1  }
0x13: {  	[smem:$0x3FB0] =	sst s0;
	s0 =	simm.s32 @!p1 $0x0  }
0x14: {  	s2 =	sld [smem:$0x3F94];
	s0 =	simm.s32 @p1 $0x1  }
0x15: {  	[smem:$0x3FB1] =	sst s0;
	s0 =	simm.s32 @!p2 $0x0  }
0x16: {  	s3 =	sld [smem:$0x3FDB];
	s0 =	simm.s32 @p2 $0x1  }
0x17: {  	s4 =	simm.s32 $0x1BF5;
	[smem:$0x3FB3] =	sst s0  }
0x18: {  	s0 =	sld [smem:$0x3F96];
	_ =	swait.ge [sflag:s4], $0x0  }
0x19: {  	s7 =	sld [smem:$0x3F97]  }
0x1a: {  	s8 =	sadd.s32 $0xFFFFE003, lr  }
0x1b: {  	s9 =	sadd.s32 $0xFFFFFEF7, lr;
	s5 =	simm.s32 $0xFFFFFFFF;
	p2 =	slt.u32 s8, $0xFFFFF086  }
0x1c: {  	p1 =	slt.u32 s9, $0xF7A;
	s5 =	simm.s32 @!p2 $0x0  }
0x1d: {  	s5 =	simm.s32 @p1 $0x1;
	p0 =	seq.s32 s7, s2  }
0x1e: {  	s7 =	smul.u32 @!p0 $0xF7A, s2;
	p2 =	seq.s32 @!p0 s5, $0x0  }
0x1f: {  	s9 =	smul.u32 $0xF7A, s1;
	s8 =	simm.s32 @!p0 $0x1BF5;
	p2 =	por !p2, p0  }
0x20: {  	[sflag:s8] =	ssyncset.s32 @!p0 $0xFFFFF086;
	s6 =	sadd.s32 @!p0 s3, s7;
	s7 =	simm.s32 @!p0 $0x108  }
0x21: {  	s3 =	sadd.s32 s3, s9;
	s6 =	sadd.s32 @!p0 $0x88, s6;
	s7 =	simm.s32 @p2 $0x1082  }
0x22: {  	[simem:s7], [sflag:s8] =	dma.local @!p0 [hbm:s6], $0xF7A  }
0x23: {  	s9 =	sor.u32 $0xD0000000, s2;
	s6 =	simm.s32 $0x108;
	_ =	swait.ge @!p0 [sflag:s8], $0x0  }
0x24: {  	s3 =	sadd.s32 $0x88, s3;
	s6 =	simm.s32 @!p1 $0x1082;
	[sflag:s4] =	ssyncset.s32 $0xFFFFF086  }
0x25: {  	[simem:s6], [sflag:s4] =	dma.local [hbm:s3], $0xF7A  }
0x26: {  	[smem:$0x3F97] =	sst s1;
	(tag) =	ssettag s2;
	_ =	strace s9  }
0x27: {  	s1 =	sld [smem:$0x3FA7]  }
0x28: {  	s2 =	sld [smem:$0x3FA8]  }
0x29: {  	s4 =	sld [smem:$0x3FAA]  }
0x2a: {  	p0 =	seq.s32 s5, $0x0;
	s5 =	sld [smem:$0x3FAB]  }
0x2b: {  	s6 =	sld [smem:$0x3FAC]  }
0x2c: {  	s7 =	sld [smem:$0x3FAD]  }
0x2d: {  	s3 =	simm.s32 $0x108;
	s8 =	sld [smem:$0x3FAE]  }
0x2e: {  	s3 =	simm.s32 @!p0 $0x1082;
	s9 =	sld [smem:$0x3FAF]  }
0x2f: {  	lr =	sadd.s32 s0, s3;
	s0 =	sld [smem:$0x3FA6]  }
0x30: {  	s3 =	sld [smem:$0x3FA9]  }
0x31: {  	[smem:$0x3FB2] =	sst s10  }
0x32: {  	s10 =	sld [smem:$0x3FB0];
	_ =	sdelay $0x3  }
0x33: {  	p0 =	seq.s32 s10, $0x1;
	s10 =	sld [smem:$0x3FB2];
	_ =	sdelay $0x3  }
0x34: {  	[smem:$0x3FB2] =	sst s10  }
0x35: {  	s10 =	sld [smem:$0x3FB1];
	_ =	sdelay $0x3  }
0x36: {  	p1 =	seq.s32 s10, $0x1;
	s10 =	sld [smem:$0x3FB2];
	_ =	sdelay $0x3  }
0x37: {  	[smem:$0x3FB2] =	sst s10  }
0x38: {  	s10 =	sld [smem:$0x3FB3]  }
0x39: {  	_ = 	snop;
	(pc) =	sbr.ind lr, $3  }
0x3a: {  	_ = 	snop  }
0x3b: {  	_ = 	snop  }
0x3c: {  	p2 =	seq.s32 s10, $0x1;
	s10 =	sld [smem:$0x3FB2]  }
0x3d: {  	_ =	shalt  }
0x3e: {  	_ =	shalt  }
0x3f: {  	_ =	shalt  }
0x40: {  	_ =	shalt  }
0x41: {  	_ =	shalt  }
0x42: {  	_ =	shalt  }
0x43: {  	_ =	shalt  }
0x44: {  	_ =	shalt  }
0x45: {  	_ =	shalt  }
0x46: {  	_ =	shalt  }
0x47: {  	_ =	shalt  }
0x48: {  	_ =	shalt  }
0x49: {  	_ =	shalt  }
0x4a: {  	_ =	shalt  }
0x4b: {  	_ =	shalt  }
0x4c: {  	_ =	shalt  }
0x4d: {  	_ =	shalt  }
0x4e: {  	_ =	shalt  }
0x4f: {  	_ =	shalt  }
0x50: {  	_ =	shalt  }
0x51: {  	_ =	shalt  }
0x52: {  	_ =	shalt  }
0x53: {  	_ =	shalt  }
0x54: {  	_ =	shalt  }
0x55: {  	_ =	shalt  }
0x56: {  	_ =	shalt  }
0x57: {  	_ =	shalt  }
0x58: {  	_ =	shalt  }
0x59: {  	_ =	shalt  }
0x5a: {  	_ =	shalt  }
0x5b: {  	_ =	shalt  }
0x5c: {  	_ =	shalt  }
0x5d: {  	_ =	shalt  }
0x5e: {  	_ =	shalt  }
0x5f: {  	_ =	shalt  }
0x60: {  	_ =	shalt  }
0x61: {  	_ =	shalt  }
0x62: {  	_ =	shalt  }
0x63: {  	_ =	shalt  }
0x64: {  	_ =	shalt  }
0x65: {  	_ =	shalt  }
0x66: {  	_ =	shalt  }
0x67: {  	_ =	shalt  }
0x68: {  	_ =	shalt  }
0x69: {  	_ =	shalt  }
0x6a: {  	_ =	shalt  }
0x6b: {  	_ =	shalt  }
0x6c: {  	_ =	shalt  }
0x6d: {  	_ =	shalt  }
0x6e: {  	_ =	shalt  }
0x6f: {  	_ =	shalt  }
0x70: {  	_ =	shalt  }
0x71: {  	_ =	shalt  }
0x72: {  	_ =	shalt  }
0x73: {  	_ =	shalt  }
0x74: {  	_ =	shalt  }
0x75: {  	_ =	shalt  }
0x76: {  	_ =	shalt  }
0x77: {  	_ =	shalt  }
0x78: {  	_ =	shalt  }
0x79: {  	_ =	shalt  }
0x7a: {  	_ =	shalt  }
0x7b: {  	_ =	shalt  }
0x7c: {  	_ =	shalt  }
0x7d: {  	_ =	shalt  }
0x7e: {  	_ =	shalt  }
0x7f: {  	_ =	shalt  }
0x80: {  	_ =	shalt  }
0x81: {  	_ =	shalt  }
0x82: {  	_ =	shalt  }
0x83: {  	_ =	shalt  }
0x84: {  	_ =	shalt  }
0x85: {  	_ =	shalt  }
0x86: {  	_ =	shalt  }
0x87: {  	_ =	shalt  }
.Lfunc_end0:
.L_simem_size_0:
called_computation_lowered:
.L_overlay_start_0:
0x88: {  	s2 =	sld [smem:$0x3FD9]  }
0x89: {  	s3 =	sld [smem:$0x3FFE];
	_ =	sdelay $0x1  }
0x8a: {  	s1 =	srdreg.scid  }
0x8b: {  	s0 =	sand.u32 $0x1, s1  }
0x8c: {  	s17 =	sshll.u32 s0, $0xA;
	s2 =	sadd.s32 s3, s2  }
0x8d: {  	s2 =	sadd.s32 s2, s17  }
0x8e: {  	[smem:$0x3FBE] =	sst s2  }
0x8f: {  	_ = 	snop  }
0x90: {  	s2 =	sld [smem:$0x3FC9]  }
0x91: {  	s18 =	sld [smem:$0x3FC8]  }
0x92: {  	s4 =	sld [smem:$0x3FC7]  }
0x93: {  	s5 =	sld [smem:$0x3FC6]  }
0x94: {  	s6 =	sld [smem:$0x3FD0];
	(tm) =	ssettm $0x1  }
0x95: {  	s7 =	sld [smem:$0x3FFB];
	_ =	sdelay $0x3  }
0x96: {  	_ =	strace s7  }
0x97: {  	s7 =	sld [smem:$0x3FFC];
	_ =	sdelay $0x3  }
0x98: {  	_ =	strace s7  }
0x99: {  	s7 =	sld [smem:$0x3FFD];
	_ =	sdelay $0x3  }
0x9a: {  	_ =	strace s7  }
0x9b: {  	_ =	strace $0x8FFFFFFF  }
0x9c: {  	s19 =	sld [smem:$0x3FDB];
	_ =	sdelay $0x1  }
0x9d: {  	s8 =	simm.s32 $_scs_section_size  }
0x9e: {  	s9 =	simm.s32 $_size__tile_overlayer_lowered;
	s10 =	simm.s32 $_tile_overlayer_lowered  }
0x9f: {  	s22 =	simm.s32 $0x1BFF;
	s21 =	sshll.u32 s10, $0x1;
	s7 =	sadd.s32 s8, s19  }
0xa0: {  	s11 =	simm.s32 $0x0;
	s20 =	sshll.u32 s9, $0x1;
	s9 =	sadd.s32 s21, s7  }
0xa1: {  	[timem:s11], [sflag:s22] =	dma.local [hbm:s9], s20  }
0xa2: {  	_ =	swait.ge [sflag:s22], s20  }
0xa3: {  	s8 =	ssub.s32 $0x0, s20;
	[sflag:s22] =	ssyncset.done $0x0  }
0xa4: {  	[sflag:s22] =	ssyncadd.s32 s8;
	_ =	sdelay $0x1  }
0xa5: {  	s23 =	simm.s32 $0x1B8B  }
0xa6: {  	_ =	swait.ge [sflag:s23], $0x1  }
0xa7: {  	[sflag:s23] =	ssyncset.done $0x0  }
0xa8: {  	s25 =	simm.s32 $0x1B8E;
	s24 =	sld [smem:$0x3FFE];
	[sflag:s23] =	ssyncadd.s32 $0xFFFFFFFF  }
0xa9: {  	s26 =	simm.s32 $execute0_lowered;
	[smem:$0x3FD2] =	sst s25  }
0xaa: {  	s9 =	sshll.u32 s26, $0x1;
	_ =	strace $0x80000046;
	[dreg:$0x1] =	wrdreg $0xFFFFFFFF  }
0xab: {  	s28 =	simm.s32 $_size_execute0_lowered;
	s7 =	sadd.s32 s7, s9;
	[dreg:$0x0] =	wrdreg $0x0  }
0xac: {  	s9 =	sshll.u32 s28, $0x1;
	[dreg:$0x2] =	wrdreg s7  }
0xad: {  	[dreg:$0x3] =	wrdreg s9  }
0xae: {  	[dreg:$0x4] =	wrdreg $0xC0  }
0xaf: {  	_ =	task [dreg:s11], $0x5FFFF  }
0xb0: {  	[dreg:$0x1] =	wrdreg $0xFFFFFFFF  }
0xb1: {  	[dreg:$0x0] =	wrdreg $0x60  }
0xb2: {  	[dreg:$0x2] =	wrdreg s4  }
0xb3: {  	[dreg:$0x3] =	wrdreg s5  }
0xb4: {  	[dreg:$0x4] =	wrdreg s2  }
0xb5: {  	[dreg:$0x5] =	wrdreg s18  }
0xb6: {  	[dreg:$0x6] =	wrdreg s6  }
0xb7: {  	[dreg:$0x7] =	wrdreg s24  }
0xb8: {  	[dreg:$0x8] =	wrdreg $0x9  }
0xb9: {  	_ =	task.clear_ibuf [dreg:s11], $0x9FFFF;
	_ =	strace $0x90000046  }
0xba: {  	s29 =	simm.s32 $0x9;
	_ =	strace $0x80000048  }
0xbb: {  	_ =	swait.ge [sflag:s29], $0x1  }
0xbc: {  	[sflag:s29] =	ssyncadd.s32 $0xFFFFFFFF  }
0xbd: {  	_ =	strace $0x90000048  }
0xbe: {  	_ =	sfence  }
0xbf: {  	s30 =	sld [smem:$0x0];
	_ =	sdelay $0x2  }
0xc0: {  	s31 =	sshll.u32 s1, $0xD;
	s1 =	sshrl.u32 s1, $0x2  }
0xc1: {  	s3 =	sand.u32 $0x4000, s31;
	s1 =	sadd.s32 s1, s30  }
0xc2: {  	s0 =	sor.u32 s3, s0;
	s1 =	sshll.u32 s1, $0x11  }
0xc3: {  	s0 =	sor.u32 s1, s0  }
0xc4: {  	s0 =	sadd.s32 $0x8F2B, s0  }
0xc5: {  	[sflag:s0] =	ssyncadd.remote.s32 $0x1  }
0xc6: {  	_ =	sfence.sel $0xFFFF  }
0xc7: {  	[dreg:$0x0] =	wrdreg $0xFFFFFFFF;
	(pc) =	sbr.abs _section_cstart, $3  }
0xc8: {  	[dreg:$0x1] =	wrdreg $0xFFFFFFFF  }
0xc9: {  	_ =	task.clear_ibuf [dreg:s11], $0x2FFFF;
	_ =	strace $0x9FFFFFFF  }
0xca: {  	(tm) =	ssettm $0x7FFFFFFF  }
0xcb: {  	_ =	shalt  }
tec
execute0_lowered:
.L_overlay_start_1:
0x0: {  	(tag) =	ssettag $0x1  }
0x1: {  	s0 =	rddreg [dreg:$0x0]  }
0x2: {  	s2 =	rddreg [dreg:$0x1]  }
0x3: {  	s5 =	rddreg [dreg:$0x2]  }
0x4: {  	s7 =	rddreg [dreg:$0x3];
	s3 =	srdreg.scid  }
0x5: {  	s12 =	rddreg [dreg:$0x4];
	s1 =	stileid.u32;
	s14 =	sand.u32 $0x1, s3  }
0x6: {  	s15 =	rddreg [dreg:$0x5];
	s6 =	sshll.u32 s1, $0x8;
	s8 =	sshll.u32 s14, $0x7  }
0x7: {  	s4 =	simm.s32 $0x0;
	s3 =	rddreg [dreg:$0x6];
	s13 =	sor.u32 s8, s6  }
0x8: {  	[smem:$0x7FF] =	sst s4;
	s8 =	sshrl.u32 s13, $0x3  }
0x9: {  	_ =	strace $0x80000047;
	s6 =	simm.s32 $0x5;
	s5 =	sadd.s32 s5, s8  }
0xa: {  	[tilespmem:s4], [sflag:$0x5] =	stream.linear.gather [hbm4b:s5+s4], $0x80, $0x38;
	[tilespmem:$0x8100] =	vst v63  }
0xb: {  	_ =	swait.ge [sflag:s6], $0x80  }
0xc: {  	[sflag:s6] =	ssyncset.done $0x0  }
0xd: {  	s7 =	sadd.s32 s7, s8;
	s8 =	simm.s32 $0x4080;
	[sflag:s6] =	ssyncadd.s32 $0xFFFFFF80  }
0xe: {  	[tilespmem:s8], [sflag:$0x5] =	stream.linear.gather [hbm4b:s7+s4], $0x80, $0x38;
	[tilespmem:$0x8100] =	vst v63  }
0xf: {  	_ =	swait.ge [sflag:s6], $0x80  }
0x10: {  	[sflag:s6] =	ssyncset.done $0x0  }
0x11: {  	s9 =	simm.s32 $0x80;
	[sflag:s6] =	ssyncadd.s32 $0xFFFFFF80  }
0x12: {  	[tilespmem:s9], [sflag:$0x1] =	stream.indirect.gather [hbm4b:s0+s9], $0x80, s4, s9, $0xb8;
	[tilespmem:$0x8100] =	vst v63  }
0x13: {  	s10 =	simm.s32 $0x4100;
	s11 =	simm.s32 $0x1  }
0x14: {  	[tilespmem:s10], [sflag:$0x2] =	stream.indirect.gather [hbm4b:s2+s9], $0x80, s8, s9, $0xb8;
	[tilespmem:$0x8100] =	vst v63  }
0x15: {  	s31 =	ssub.s32 $0x2, s14;
	_ =	swait.ge [sflag:s11], $0x4000  }
0x16: {  	s17 =	sshrl.u32 s31, $0x1;
	s16 =	sshll.u32 s13, $0x4;
	[sflag:s11] =	ssyncset.done $0x0  }
0x17: {  	s13 =	simm.s32 $0x2;
	s12 =	sadd.s32 s12, s16;
	[sflag:s11] =	ssyncadd.s32 $0xFFFFC000  }
0x18: {  	[hbm4b:s12+s4] =	stream.linear.scatter [tilespmem:s9], [sflag:$0x3], $0x4000, $0x38;
	[tilespmem:$0x8100] =	vst v63  }
0x19: {  	s15 =	sadd.s32 s16, s15;
	s16 =	ssub.s32 s31, s17;
	_ =	swait.ge [sflag:s13], $0x4000  }
0x1a: {  	s14 =	sadd.s32 $0x1800, s15;
	s17 =	smax.u32 s16, $0x1;
	[sflag:s13] =	ssyncset.done $0x0  }
0x1b: {  	s15 =	simm.s32 $0x3;
	p0 =	sne.s32 s17, $0x1;
	[sflag:s13] =	ssyncadd.s32 $0xFFFFC000  }
0x1c: {  	[hbm4b:s14+s4] =	stream.linear.scatter [tilespmem:s10], [sflag:$0x4], $0x4000, $0x38;
	[tilespmem:$0x8100] =	vst v63  }
.Ltmp0:
0x1d: {  	_ =	swait.ge [sflag:s15], $0x4000;
	(pc) =	sbr.rel @!p0 .LBB2_2-.Ltmp0, $4  }
0x1e: {  	[sflag:s15] =	ssyncset.done $0x0  }
0x1f: {  	s16 =	simm.s32 $0x4;
	[sflag:s15] =	ssyncadd.s32 $0xFFFFC000  }
0x20: {  	_ =	swait.ge [sflag:s16], $0x4000  }
0x21: {  	s17 =	sadd.s32 $0xFFFFFFFF, s17;
	[sflag:s16] =	ssyncset.done $0x0  }
.LBB2_1:
0x22: {  	p0 =	sne.s32 s17, $0x1;
	s17 =	sadd.s32 $0xFFFFFFFF, s17;
	[sflag:s16] =	ssyncadd.s32 $0xFFFFC000  }
0x23: {  	[tilespmem:s4], [sflag:$0x5] =	stream.linear.gather [hbm4b:s5+s4], $0x80, $0x38;
	[tilespmem:$0x8100] =	vst v63  }
0x24: {  	_ =	swait.ge [sflag:s6], $0x80  }
0x25: {  	[sflag:s6] =	ssyncset.done $0x0  }
0x26: {  	[sflag:s6] =	ssyncadd.s32 $0xFFFFFF80  }
0x27: {  	[tilespmem:s8], [sflag:$0x5] =	stream.linear.gather [hbm4b:s7+s4], $0x80, $0x38;
	[tilespmem:$0x8100] =	vst v63  }
0x28: {  	_ =	swait.ge [sflag:s6], $0x80  }
0x29: {  	[sflag:s6] =	ssyncset.done $0x0  }
0x2a: {  	[sflag:s6] =	ssyncadd.s32 $0xFFFFFF80  }
0x2b: {  	[tilespmem:s9], [sflag:$0x1] =	stream.indirect.gather [hbm4b:s0+s9], $0x80, s4, s9, $0xb8;
	[tilespmem:$0x8100] =	vst v63  }
0x2c: {  	_ = 	snop  }
0x2d: {  	[tilespmem:s10], [sflag:$0x2] =	stream.indirect.gather [hbm4b:s2+s9], $0x80, s8, s9, $0xb8;
	[tilespmem:$0x8100] =	vst v63  }
0x2e: {  	_ =	swait.ge [sflag:s11], $0x4000  }
0x2f: {  	[sflag:s11] =	ssyncset.done $0x0  }
0x30: {  	[sflag:s11] =	ssyncadd.s32 $0xFFFFC000  }
0x31: {  	[hbm4b:s12+s4] =	stream.linear.scatter [tilespmem:s9], [sflag:$0x3], $0x4000, $0x38;
	[tilespmem:$0x8100] =	vst v63  }
0x32: {  	_ =	swait.ge [sflag:s13], $0x4000  }
0x33: {  	[sflag:s13] =	ssyncset.done $0x0  }
0x34: {  	[sflag:s13] =	ssyncadd.s32 $0xFFFFC000  }
0x35: {  	[hbm4b:s14+s4] =	stream.linear.scatter [tilespmem:s10], [sflag:$0x4], $0x4000, $0x38;
	[tilespmem:$0x8100] =	vst v63  }
.Ltmp1:
0x36: {  	_ =	swait.ge [sflag:s15], $0x4000;
	(pc) =	sbr.rel @p0 .LBB2_1-.Ltmp1, $4  }
0x37: {  	[sflag:s15] =	ssyncset.done $0x0  }
0x38: {  	[sflag:s15] =	ssyncadd.s32 $0xFFFFC000  }
0x39: {  	_ =	swait.ge [sflag:s16], $0x4000  }
0x3a: {  	[sflag:s16] =	ssyncset.done $0x0  }
.LBB2_2:
0x3b: {  	[sflag:s16] =	ssyncadd.s32 $0xFFFFC000  }
0x3c: {  	_ =	sfence.sel $0x180000  }
0x3d: {  	[bflag:$0x0] =	sbarrier.arrive $0xFFFF  }
0x3e: {  	p0 =	sne.s32 s1, $0x0;
	_ =	strace $0x90000047  }
0x3f: {  	s0 =	sadd.s32 @!p0 $0x100000, s3;
	[bflag:$0x2] =	sbarrier.arrive $0xFFFF  }
0x40: {  	[sflag:s0] =	ssyncadd.tile.s32 @!p0 $0x1;
	_ =	shalt  }
.Lfunc_end2:
_tile_overlayer_lowered:
.L_overlay_start_2:
0x41: {  	(tag) =	ssettag $0x2  }
0x42: {  	s0 =	rddreg [dreg:$0x0];
	s2 =	stileid.u32  }
0x43: {  	s1 =	rddreg [dreg:$0x1];
	p0 =	sne.s32 s2, $0x0  }
0x44: {  	s3 =	rddreg [dreg:$0x2];
	[bflag:$0x3] =	sbarrier.arrive $0xFFFF;
	s2 =	simm.s32 @!p0 $0x1C05  }
0x45: {  	[timem:s3], [sflag:s2] =	dma.local @!p0 [hbm:s0], s1  }
0x46: {  	s0 =	simm.s32 @!p0 $0x5  }
0x47: {  	_ =	swait.ge @!p0 [sflag:s0], s1  }
0x48: {  	s1 =	ssub.s32 @!p0 $0x0, s1;
	[sflag:s0] =	ssyncset.done @!p0 $0x0  }
0x49: {  	[sflag:s0] =	ssyncadd.s32 @!p0 s1  }
0x4a: {  	[bflag:$0x3] =	sbarrier.arrive $0xFFFF  }
0x4b: {  	_ =	shalt  }

</sc_bundles>
